<compile_context>
chip_gen: v7x
topology: tpu7x:2x2x1
jax: 0.10.2.dev20260603
libtpu: 0.0.44.dev20260713+nightly
codegen_flags: <defaults>
</compile_context>

<pallas_src>
import functools

import jax
import jax.numpy as jnp
from jax.experimental import pallas as pl
from jax.experimental.pallas import tpu as pltpu
from jax.experimental.pallas import tpu_sc as plsc

V = 100000
D = 128
TOPK = 10
TILE = 25600
NT = (V + TILE - 1) // TILE
VPAD = NT * TILE
GROWS = VPAD // D

NC = 2
NW = 16 * NC
L = 16
CHUNK = VPAD // NW
NSTEP = CHUNK // L
GRP = 4


def _gemv_body(wid_ref, qblk_ref, t_ref, out_ref):
    i = pl.program_id(0)
    r = wid_ref[0] % 8
    q = qblk_ref[...]
    sub = jax.lax.broadcasted_iota(jnp.int32, (8, D), 0)
    wv = jnp.sum(jnp.where(sub == r, q, 0.0), axis=0, keepdims=True)
    x = t_ref[...]
    w_rep = jnp.broadcast_to(wv.reshape(D, 1), (D, D))
    s_rep = jnp.dot(x, w_rep, preferred_element_type=jnp.float32)
    r3 = s_rep.reshape(TILE // D, D, D)
    eye = (jax.lax.broadcasted_iota(jnp.int32, (1, D, D), 1)
           == jax.lax.broadcasted_iota(jnp.int32, (1, D, D), 2)).astype(jnp.float32)
    s = jnp.sum(r3 * eye, axis=1)
    row_i = jax.lax.broadcasted_iota(jnp.int32, (TILE // D, D), 0)
    col_i = jax.lax.broadcasted_iota(jnp.int32, (TILE // D, D), 1)
    gid = i * TILE + row_i * D + col_i
    out_ref[...] = jnp.where(gid < V, s, -jnp.inf)


_SC_MESH = plsc.VectorSubcoreMesh(
    core_axis_name="c", subcore_axis_name="s", num_cores=NC)
_SC_PARAMS = pltpu.CompilerParams(needs_layout_passes=False)


def _merge16(r_v, r_i, xs, xi):
    keep = (r_v > xs) | ((r_v == xs) & (r_i < xi))
    c_v = jnp.where(keep, r_v, xs)
    c_i = jnp.where(keep, r_i, xi)
    return plsc.sort_key_val(c_v, c_i, descending=False)


@functools.partial(
    pl.kernel,
    out_type=(
        jax.ShapeDtypeStruct((NW, L), jnp.float32),
        jax.ShapeDtypeStruct((NW, L), jnp.int32),
    ),
    mesh=_SC_MESH,
    compiler_params=_SC_PARAMS,
    scratch_types=[
        pltpu.VMEM((CHUNK,), jnp.float32),
        pltpu.VMEM((L,), jnp.float32),
        pltpu.VMEM((L,), jnp.int32),
    ],
)
def _sc_topk_local(scores_hbm, cand_v_out, cand_i_out, buf, stage_v, stage_i):
    w = jax.lax.axis_index("s") * NC + jax.lax.axis_index("c")
    base = w * CHUNK
    pltpu.sync_copy(scores_hbm.at[pl.ds(base, CHUNK)], buf)
    lane = jax.lax.iota(jnp.int32, L)
    neg = jnp.float32(-jnp.inf)

    def group(g, carry):
        r_v, r_i, r_min_s = carry
        xs = [buf[pl.ds((g * GRP + b) * L, L)] for b in range(GRP)]
        gmax = xs[0]
        for b in range(1, GRP):
            gmax = jnp.maximum(gmax, xs[b])
        gsort, _ = plsc.sort_key_val(gmax, lane, descending=True)

        def do_merge():
            rv, ri = r_v, r_i
            for b in range(GRP):
                ids = base + (g * GRP + b) * L + lane
                sx, si = plsc.sort_key_val(xs[b], ids, descending=True)
                rv, ri = _merge16(rv, ri, sx, si)
            return rv, ri, rv[0]

        return jax.lax.cond(gsort[0] > r_min_s, do_merge,
                            lambda: (r_v, r_i, r_min_s))

    init = (jnp.full((L,), neg, jnp.float32),
            jnp.zeros((L,), jnp.int32),
            neg)
    r_v, r_i, _ = jax.lax.fori_loop(0, NSTEP // GRP, group, init)

    stage_v[...] = r_v
    stage_i[...] = r_i
    pltpu.sync_copy(stage_v, cand_v_out.at[w])
    pltpu.sync_copy(stage_i, cand_i_out.at[w])


def _final_body(cv_ref, ci_ref, vals_ref, ids_ref):
    v = cv_ref[...]
    idx = ci_ref[...]
    out_col = jax.lax.broadcasted_iota(jnp.int32, (8, D), 1)
    out_row = jax.lax.broadcasted_iota(jnp.int32, (8, D), 0)

    def step(k, carry):
        v, vals, ids = carry
        m = jnp.max(v)
        am = jnp.min(jnp.where(v == m, idx, jnp.int32(2**31 - 1)))
        sel = (out_row == 0) & (out_col == k)
        vals = jnp.where(sel, m, vals)
        ids = jnp.where(sel, am, ids)
        v = jnp.where((v == m) & (idx == am), -jnp.inf, v)
        return v, vals, ids

    vals0 = jnp.full((8, D), -jnp.inf, jnp.float32)
    ids0 = jnp.zeros((8, D), jnp.int32)
    _, vals, ids = jax.lax.fori_loop(0, TOPK + 1, step, (v, vals0, ids0))
    vals_ref[...] = vals
    ids_ref[...] = ids


def kernel(wordid, table):
    wid = wordid.astype(jnp.int32)
    scores = pl.pallas_call(
        _gemv_body,
        grid_spec=pltpu.PrefetchScalarGridSpec(
            num_scalar_prefetch=1,
            grid=(NT,),
            in_specs=[
                pl.BlockSpec((8, D), lambda i, w: (w[0] // 8, 0)),
                pl.BlockSpec((TILE, D), lambda i, w: (i, 0)),
            ],
            out_specs=pl.BlockSpec((TILE // D, D), lambda i, w: (i, 0)),
        ),
        out_shape=jax.ShapeDtypeStruct((GROWS, D), jnp.float32),
    )(wid, table, table)

    cv, ci = _sc_topk_local(scores.reshape(VPAD))
    vals, ids = pl.pallas_call(
        _final_body,
        out_shape=(
            jax.ShapeDtypeStruct((8, D), jnp.float32),
            jax.ShapeDtypeStruct((8, D), jnp.int32),
        ),
    )(cv, ci)
    return vals[0, 1:TOPK + 1], ids[0, 1:TOPK + 1]

# --- scband reference (transcript-rebuilt; emitter-appended) ---
"""Pipeline reference for scband-similarity-model-51067161149970 (READ-ONLY COPY).

The authoritative reference and input builder live on the scoring server;
editing this copy changes nothing except your own understanding.
"""

import jax, jax.numpy as jnp
import numpy as np

VOCAB = 100000
DIM = 128
TOPK = 10

def setup_inputs(seed: int = 0) -> dict:
    key = jax.random.key(seed)
    k1, k2 = jax.random.split(key)
    table = jax.random.normal(k1, (VOCAB, DIM), dtype=jnp.float32)
    wordid = jax.random.randint(k2, (1,), 0, VOCAB)
    return {"wordid": wordid, "table": table}

def reference(wordid, table):
    # embedding lookup for the query word
    wordvec = jnp.take(table, wordid, axis=0)            # [1, D]
    # similarity against the whole vocabulary (dot product)
    sim_score = jnp.matmul(wordvec, table.T)[0]          # [V]
    # full descending sort (the original sorts the whole zipped list)
    order = jnp.argsort(-sim_score)                      # [V]
    sorted_scores = sim_score[order]
    # original prints entries 1..topk (skipping the word itself at rank 0)
    top_scores = sorted_scores[1:TOPK + 1]
    top_ids = order[1:TOPK + 1]
    return top_scores, top_ids

if __name__ == "__main__":
    import jax
    _d = setup_inputs()
    print(jax.jit(kernel)(*tuple(_d.values())))

</pallas_src>

<mosaic_0001>
#map = affine_map<(d0, d1) -> (0)>
#map1 = affine_map<(d0, d1) -> (0, 0)>
module attributes {stable_mosaic.version = 14 : i64} {
  func.func @_sc_topk_local(%arg0: i32, %arg1: i32, %arg2: memref<102400xf32, #tpu.memory_space<hbm>>, %arg3: memref<32x16xf32, #tpu.memory_space<hbm>>, %arg4: memref<32x16xi32, #tpu.memory_space<hbm>>, %arg5: memref<3200xf32, #tpu.memory_space<vmem>>, %arg6: memref<16xf32, #tpu.memory_space<vmem>>, %arg7: memref<16xi32, #tpu.memory_space<vmem>>) attributes {dimension_semantics = [#tpu.dimension_semantics<core_parallel>, #tpu.dimension_semantics<subcore_parallel>], iteration_bounds = array<i64: 2, 16>, scalar_prefetch = 0 : i64, scratch_operands = 3 : i64, tpu.core_type = #tpu.core_type<sc_vector_subcore>, window_params = [{transform_indices = #map}, {transform_indices = #map1}, {transform_indices = #map1}]} {
    %mul3A = arith.constant 2 : i32
    %mul3A_0 = arith.muli %arg1, %mul3A : i32
    %add3A = arith.addi %mul3A_0, %arg0 : i32
    %mul3A_1 = arith.constant 3200 : i32
    %mul3A_2 = arith.muli %add3A, %mul3A_1 : i32
    "tpu.region"() ({
      %run_scoped3A = tpu.sem_alloc : memref<!tpu.dma_semaphore, #tpu.memory_space<semaphore_mem>>
      %dma_start3A = tpu.memref_slice %arg2[%mul3A_2] : memref<102400xf32, #tpu.memory_space<hbm>> -> memref<3200xf32, #tpu.memory_space<hbm>>
      %dma_start3A_15 = tpu.memref_slice %arg2[%mul3A_2] : memref<102400xf32, #tpu.memory_space<hbm>> -> memref<3200xf32, #tpu.memory_space<hbm>>
      tpu.enqueue_dma source(%dma_start3A_15 : memref<3200xf32, #tpu.memory_space<hbm>>) target(%arg5 : memref<3200xf32, #tpu.memory_space<vmem>>) target_semaphore(%run_scoped3A : memref<!tpu.dma_semaphore, #tpu.memory_space<semaphore_mem>>)
      %dma_wait3A = tpu.memref_slice %arg2[%mul3A_2] : memref<102400xf32, #tpu.memory_space<hbm>> -> memref<3200xf32, #tpu.memory_space<hbm>>
      %dma_wait3A_16 = tpu.memref_slice %arg2[%mul3A_2] : memref<102400xf32, #tpu.memory_space<hbm>> -> memref<3200xf32, #tpu.memory_space<hbm>>
      tpu.wait_dma2 semaphore(%run_scoped3A : memref<!tpu.dma_semaphore, #tpu.memory_space<semaphore_mem>>) src(%dma_wait3A_16 : memref<3200xf32, #tpu.memory_space<hbm>>) dst(%arg5 : memref<3200xf32, #tpu.memory_space<vmem>>)
      tpu.yield
    }) : () -> ()
    %iota3A = tpu.iota {dimensions = array<i32: 0>} : vector<16xi32>
    %broadcast_in_dim3A = arith.constant 0xFF800000 : f32
    %broadcast_in_dim3A_3 = vector.broadcast %broadcast_in_dim3A : f32 to vector<16xf32>
    %broadcast_in_dim3A_4 = arith.constant 0 : i32
    %broadcast_in_dim3A_5 = vector.broadcast %broadcast_in_dim3A_4 : i32 to vector<16xi32>
    %scan3A = arith.constant 0xFF800000 : f32
    %scan3A_6 = arith.constant 0 : i32
    %scan3A_7 = arith.constant 50 : i32
    %scan3A_8 = arith.addi %scan3A_6, %scan3A_7 : i32
    %scan3A_9 = arith.constant 1 : i32
    %scan3A_10:3 = scf.for %scan3A_15 = %scan3A_6 to %scan3A_8 step %scan3A_9 iter_args(%scan3A_16 = %broadcast_in_dim3A_3, %scan3A_17 = %broadcast_in_dim3A_5, %scan3A_18 = %scan3A) -> (vector<16xf32>, vector<16xi32>, f32)  : i32 {
      %mul3A_19 = arith.constant 4 : i32
      %mul3A_20 = arith.muli %scan3A_15, %mul3A_19 : i32
      %add3A_21 = arith.constant 0 : i32
      %add3A_22 = arith.addi %mul3A_20, %add3A_21 : i32
      %mul3A_23 = arith.constant 16 : i32
      %mul3A_24 = arith.muli %add3A_22, %mul3A_23 : i32
      %get3A = arith.index_cast %mul3A_24 : i32 to index
      %get3A_25 = tpu.vector_load %arg5[%get3A] {strides = array<i32>} : memref<3200xf32, #tpu.memory_space<vmem>>, vector<16xf32>,
      %mul3A_26 = arith.constant 4 : i32
      %mul3A_27 = arith.muli %scan3A_15, %mul3A_26 : i32
      %add3A_28 = arith.constant 1 : i32
      %add3A_29 = arith.addi %mul3A_27, %add3A_28 : i32
      %mul3A_30 = arith.constant 16 : i32
      %mul3A_31 = arith.muli %add3A_29, %mul3A_30 : i32
      %get3A_32 = arith.index_cast %mul3A_31 : i32 to index
      %get3A_33 = tpu.vector_load %arg5[%get3A_32] {strides = array<i32>} : memref<3200xf32, #tpu.memory_space<vmem>>, vector<16xf32>,
      %mul3A_34 = arith.constant 4 : i32
      %mul3A_35 = arith.muli %scan3A_15, %mul3A_34 : i32
      %add3A_36 = arith.constant 2 : i32
      %add3A_37 = arith.addi %mul3A_35, %add3A_36 : i32
      %mul3A_38 = arith.constant 16 : i32
      %mul3A_39 = arith.muli %add3A_37, %mul3A_38 : i32
      %get3A_40 = arith.index_cast %mul3A_39 : i32 to index
      %get3A_41 = tpu.vector_load %arg5[%get3A_40] {strides = array<i32>} : memref<3200xf32, #tpu.memory_space<vmem>>, vector<16xf32>,
      %mul3A_42 = arith.constant 4 : i32
      %mul3A_43 = arith.muli %scan3A_15, %mul3A_42 : i32
      %add3A_44 = arith.constant 3 : i32
      %add3A_45 = arith.addi %mul3A_43, %add3A_44 : i32
      %mul3A_46 = arith.constant 16 : i32
      %mul3A_47 = arith.muli %add3A_45, %mul3A_46 : i32
      %get3A_48 = arith.index_cast %mul3A_47 : i32 to index
      %get3A_49 = tpu.vector_load %arg5[%get3A_48] {strides = array<i32>} : memref<3200xf32, #tpu.memory_space<vmem>>, vector<16xf32>,
      %max3A = arith.maximumf %get3A_25, %get3A_33 : vector<16xf32>
      %max3A_50 = arith.maximumf %max3A, %get3A_41 : vector<16xf32>
      %max3A_51 = arith.maximumf %max3A_50, %get3A_49 : vector<16xf32>
      %masked_sort3A = arith.constant dense<true> : vector<16xi1>
      %masked_sort3A_52, %masked_sort3A_53, %masked_sort3A_54 = tpu.sort %max3A_51, %iota3A masked %masked_sort3A {descending = true} : (vector<16xf32>, vector<16xi32>, vector<16xi1>) -> (vector<16xi1>, vector<16xf32>, vector<16xi32>)
      %slice3A = vector.extract_strided_slice %masked_sort3A_53 {offsets = [0], sizes = [1], strides = [1]} : vector<16xf32> to vector<1xf32>
      %squeeze3A = vector.extract %slice3A[0] : f32 from vector<1xf32>
      %gt3A = arith.cmpf ogt, %squeeze3A, %scan3A_18 : f32
      %convert_element_type3A = arith.extui %gt3A : i1 to i32
      %cond3A = arith.constant 0 : i32
      %cond3A_55 = arith.cmpi ne, %convert_element_type3A, %cond3A : i32
      %cond3A_56:3 = scf.if %cond3A_55 -> (vector<16xf32>, vector<16xi32>, f32) {
        %mul3A_57 = arith.constant 4 : i32
        %mul3A_58 = arith.muli %scan3A_15, %mul3A_57 : i32
        %add3A_59 = arith.constant 0 : i32
        %add3A_60 = arith.addi %mul3A_58, %add3A_59 : i32
        %mul3A_61 = arith.constant 16 : i32
        %mul3A_62 = arith.muli %add3A_60, %mul3A_61 : i32
        %add3A_63 = arith.addi %mul3A_2, %mul3A_62 : i32
        %add3A_64 = vector.broadcast %add3A_63 : i32 to vector<16xi32>
        %add3A_65 = arith.addi %add3A_64, %iota3A : vector<16xi32>
        %masked_sort3A_66 = arith.constant dense<true> : vector<16xi1>
        %masked_sort3A_67, %masked_sort3A_68, %masked_sort3A_69 = tpu.sort %get3A_25, %add3A_65 masked %masked_sort3A_66 {descending = true} : (vector<16xf32>, vector<16xi32>, vector<16xi1>) -> (vector<16xi1>, vector<16xf32>, vector<16xi32>)
        %gt3A_70 = arith.cmpf ogt, %scan3A_16, %masked_sort3A_68 : vector<16xf32>
        %eq3A = arith.cmpf oeq, %scan3A_16, %masked_sort3A_68 : vector<16xf32>
        %lt3A = arith.cmpi slt, %scan3A_17, %masked_sort3A_69 : vector<16xi32>
        %and3A = arith.andi %eq3A, %lt3A : vector<16xi1>
        %or3A = arith.ori %gt3A_70, %and3A : vector<16xi1>
        %select_n3A = arith.select %or3A, %scan3A_16, %masked_sort3A_68 : vector<16xi1>, vector<16xf32>
        %select_n3A_71 = arith.select %or3A, %scan3A_17, %masked_sort3A_69 : vector<16xi1>, vector<16xi32>
        %masked_sort3A_72 = arith.constant dense<true> : vector<16xi1>
        %masked_sort3A_73, %masked_sort3A_74, %masked_sort3A_75 = tpu.sort %select_n3A, %select_n3A_71 masked %masked_sort3A_72 : (vector<16xf32>, vector<16xi32>, vector<16xi1>) -> (vector<16xi1>, vector<16xf32>, vector<16xi32>)
        %mul3A_76 = arith.constant 4 : i32
        %mul3A_77 = arith.muli %scan3A_15, %mul3A_76 : i32
        %add3A_78 = arith.constant 1 : i32
        %add3A_79 = arith.addi %mul3A_77, %add3A_78 : i32
        %mul3A_80 = arith.constant 16 : i32
        %mul3A_81 = arith.muli %add3A_79, %mul3A_80 : i32
        %add3A_82 = arith.addi %mul3A_2, %mul3A_81 : i32
        %add3A_83 = vector.broadcast %add3A_82 : i32 to vector<16xi32>
        %add3A_84 = arith.addi %add3A_83, %iota3A : vector<16xi32>
        %masked_sort3A_85 = arith.constant dense<true> : vector<16xi1>
        %masked_sort3A_86, %masked_sort3A_87, %masked_sort3A_88 = tpu.sort %get3A_33, %add3A_84 masked %masked_sort3A_85 {descending = true} : (vector<16xf32>, vector<16xi32>, vector<16xi1>) -> (vector<16xi1>, vector<16xf32>, vector<16xi32>)
        %gt3A_89 = arith.cmpf ogt, %masked_sort3A_74, %masked_sort3A_87 : vector<16xf32>
        %eq3A_90 = arith.cmpf oeq, %masked_sort3A_74, %masked_sort3A_87 : vector<16xf32>
        %lt3A_91 = arith.cmpi slt, %masked_sort3A_75, %masked_sort3A_88 : vector<16xi32>
        %and3A_92 = arith.andi %eq3A_90, %lt3A_91 : vector<16xi1>
        %or3A_93 = arith.ori %gt3A_89, %and3A_92 : vector<16xi1>
        %select_n3A_94 = arith.select %or3A_93, %masked_sort3A_74, %masked_sort3A_87 : vector<16xi1>, vector<16xf32>
        %select_n3A_95 = arith.select %or3A_93, %masked_sort3A_75, %masked_sort3A_88 : vector<16xi1>, vector<16xi32>
        %masked_sort3A_96 = arith.constant dense<true> : vector<16xi1>
        %masked_sort3A_97, %masked_sort3A_98, %masked_sort3A_99 = tpu.sort %select_n3A_94, %select_n3A_95 masked %masked_sort3A_96 : (vector<16xf32>, vector<16xi32>, vector<16xi1>) -> (vector<16xi1>, vector<16xf32>, vector<16xi32>)
        %mul3A_100 = arith.constant 4 : i32
        %mul3A_101 = arith.muli %scan3A_15, %mul3A_100 : i32
        %add3A_102 = arith.constant 2 : i32
        %add3A_103 = arith.addi %mul3A_101, %add3A_102 : i32
        %mul3A_104 = arith.constant 16 : i32
        %mul3A_105 = arith.muli %add3A_103, %mul3A_104 : i32
        %add3A_106 = arith.addi %mul3A_2, %mul3A_105 : i32
        %add3A_107 = vector.broadcast %add3A_106 : i32 to vector<16xi32>
        %add3A_108 = arith.addi %add3A_107, %iota3A : vector<16xi32>
        %masked_sort3A_109 = arith.constant dense<true> : vector<16xi1>
        %masked_sort3A_110, %masked_sort3A_111, %masked_sort3A_112 = tpu.sort %get3A_41, %add3A_108 masked %masked_sort3A_109 {descending = true} : (vector<16xf32>, vector<16xi32>, vector<16xi1>) -> (vector<16xi1>, vector<16xf32>, vector<16xi32>)
        %gt3A_113 = arith.cmpf ogt, %masked_sort3A_98, %masked_sort3A_111 : vector<16xf32>
        %eq3A_114 = arith.cmpf oeq, %masked_sort3A_98, %masked_sort3A_111 : vector<16xf32>
        %lt3A_115 = arith.cmpi slt, %masked_sort3A_99, %masked_sort3A_112 : vector<16xi32>
        %and3A_116 = arith.andi %eq3A_114, %lt3A_115 : vector<16xi1>
        %or3A_117 = arith.ori %gt3A_113, %and3A_116 : vector<16xi1>
        %select_n3A_118 = arith.select %or3A_117, %masked_sort3A_98, %masked_sort3A_111 : vector<16xi1>, vector<16xf32>
        %select_n3A_119 = arith.select %or3A_117, %masked_sort3A_99, %masked_sort3A_112 : vector<16xi1>, vector<16xi32>
        %masked_sort3A_120 = arith.constant dense<true> : vector<16xi1>
        %masked_sort3A_121, %masked_sort3A_122, %masked_sort3A_123 = tpu.sort %select_n3A_118, %select_n3A_119 masked %masked_sort3A_120 : (vector<16xf32>, vector<16xi32>, vector<16xi1>) -> (vector<16xi1>, vector<16xf32>, vector<16xi32>)
        %mul3A_124 = arith.constant 4 : i32
        %mul3A_125 = arith.muli %scan3A_15, %mul3A_124 : i32
        %add3A_126 = arith.constant 3 : i32
        %add3A_127 = arith.addi %mul3A_125, %add3A_126 : i32
        %mul3A_128 = arith.constant 16 : i32
        %mul3A_129 = arith.muli %add3A_127, %mul3A_128 : i32
        %add3A_130 = arith.addi %mul3A_2, %mul3A_129 : i32
        %add3A_131 = vector.broadcast %add3A_130 : i32 to vector<16xi32>
        %add3A_132 = arith.addi %add3A_131, %iota3A : vector<16xi32>
        %masked_sort3A_133 = arith.constant dense<true> : vector<16xi1>
        %masked_sort3A_134, %masked_sort3A_135, %masked_sort3A_136 = tpu.sort %get3A_49, %add3A_132 masked %masked_sort3A_133 {descending = true} : (vector<16xf32>, vector<16xi32>, vector<16xi1>) -> (vector<16xi1>, vector<16xf32>, vector<16xi32>)
        %gt3A_137 = arith.cmpf ogt, %masked_sort3A_122, %masked_sort3A_135 : vector<16xf32>
        %eq3A_138 = arith.cmpf oeq, %masked_sort3A_122, %masked_sort3A_135 : vector<16xf32>
        %lt3A_139 = arith.cmpi slt, %masked_sort3A_123, %masked_sort3A_136 : vector<16xi32>
        %and3A_140 = arith.andi %eq3A_138, %lt3A_139 : vector<16xi1>
        %or3A_141 = arith.ori %gt3A_137, %and3A_140 : vector<16xi1>
        %select_n3A_142 = arith.select %or3A_141, %masked_sort3A_122, %masked_sort3A_135 : vector<16xi1>, vector<16xf32>
        %select_n3A_143 = arith.select %or3A_141, %masked_sort3A_123, %masked_sort3A_136 : vector<16xi1>, vector<16xi32>
        %masked_sort3A_144 = arith.constant dense<true> : vector<16xi1>
        %masked_sort3A_145, %masked_sort3A_146, %masked_sort3A_147 = tpu.sort %select_n3A_142, %select_n3A_143 masked %masked_sort3A_144 : (vector<16xf32>, vector<16xi32>, vector<16xi1>) -> (vector<16xi1>, vector<16xf32>, vector<16xi32>)
        %slice3A_148 = vector.extract_strided_slice %masked_sort3A_146 {offsets = [0], sizes = [1], strides = [1]} : vector<16xf32> to vector<1xf32>
        %squeeze3A_149 = vector.extract %slice3A_148[0] : f32 from vector<1xf32>
        scf.yield %masked_sort3A_146, %masked_sort3A_147, %squeeze3A_149 : vector<16xf32>, vector<16xi32>, f32
      } else {
        scf.yield %scan3A_16, %scan3A_17, %scan3A_18 : vector<16xf32>, vector<16xi32>, f32
      }
      scf.yield %cond3A_56#0, %cond3A_56#1, %cond3A_56#2 : vector<16xf32>, vector<16xi32>, f32
    }
    %scan3A_11 = arith.constant 50 : i32
    %swap3A = arith.constant 0 : index
    %swap3A_12 = tpu.vector_load %arg6[%swap3A] {strides = array<i32>} : memref<16xf32, #tpu.memory_space<vmem>>, vector<16xf32>,
    tpu.vector_store %arg6[%swap3A], %scan3A_10#0 {strides = array<i32>} : memref<16xf32, #tpu.memory_space<vmem>>, vector<16xf32>,
    %swap3A_13 = arith.constant 0 : index
    %swap3A_14 = tpu.vector_load %arg7[%swap3A_13] {strides = array<i32>} : memref<16xi32, #tpu.memory_space<vmem>>, vector<16xi32>,
    tpu.vector_store %arg7[%swap3A_13], %scan3A_10#1 {strides = array<i32>} : memref<16xi32, #tpu.memory_space<vmem>>, vector<16xi32>,
    "tpu.region"() ({
      %run_scoped3A = tpu.sem_alloc : memref<!tpu.dma_semaphore, #tpu.memory_space<semaphore_mem>>
      %dma_start3A = arith.constant 0 : i32
      %dma_start3A_15 = tpu.memref_slice %arg3[%add3A, %dma_start3A] : memref<32x16xf32, #tpu.memory_space<hbm>> -> memref<1x16xf32, #tpu.memory_space<hbm>>
      %dma_start3A_16 = tpu.memref_squeeze %dma_start3A_15 : memref<1x16xf32, #tpu.memory_space<hbm>> -> memref<16xf32, #tpu.memory_space<hbm>>
      %dma_start3A_17 = arith.constant 0 : i32
      %dma_start3A_18 = tpu.memref_slice %arg3[%add3A, %dma_start3A_17] : memref<32x16xf32, #tpu.memory_space<hbm>> -> memref<1x16xf32, #tpu.memory_space<hbm>>
      %dma_start3A_19 = tpu.memref_squeeze %dma_start3A_18 : memref<1x16xf32, #tpu.memory_space<hbm>> -> memref<16xf32, #tpu.memory_space<hbm>>
      tpu.enqueue_dma source(%arg6 : memref<16xf32, #tpu.memory_space<vmem>>) target(%dma_start3A_19 : memref<16xf32, #tpu.memory_space<hbm>>) target_semaphore(%run_scoped3A : memref<!tpu.dma_semaphore, #tpu.memory_space<semaphore_mem>>)
      %dma_wait3A = arith.constant 0 : i32
      %dma_wait3A_20 = tpu.memref_slice %arg3[%add3A, %dma_wait3A] : memref<32x16xf32, #tpu.memory_space<hbm>> -> memref<1x16xf32, #tpu.memory_space<hbm>>
      %dma_wait3A_21 = tpu.memref_squeeze %dma_wait3A_20 : memref<1x16xf32, #tpu.memory_space<hbm>> -> memref<16xf32, #tpu.memory_space<hbm>>
      %dma_wait3A_22 = arith.constant 0 : i32
      %dma_wait3A_23 = tpu.memref_slice %arg3[%add3A, %dma_wait3A_22] : memref<32x16xf32, #tpu.memory_space<hbm>> -> memref<1x16xf32, #tpu.memory_space<hbm>>
      %dma_wait3A_24 = tpu.memref_squeeze %dma_wait3A_23 : memref<1x16xf32, #tpu.memory_space<hbm>> -> memref<16xf32, #tpu.memory_space<hbm>>
      tpu.wait_dma2 semaphore(%run_scoped3A : memref<!tpu.dma_semaphore, #tpu.memory_space<semaphore_mem>>) src(%arg6 : memref<16xf32, #tpu.memory_space<vmem>>) dst(%dma_wait3A_24 : memref<16xf32, #tpu.memory_space<hbm>>)
      tpu.yield
    }) : () -> ()
    "tpu.region"() ({
      %run_scoped3A = tpu.sem_alloc : memref<!tpu.dma_semaphore, #tpu.memory_space<semaphore_mem>>
      %dma_start3A = arith.constant 0 : i32
      %dma_start3A_15 = tpu.memref_slice %arg4[%add3A, %dma_start3A] : memref<32x16xi32, #tpu.memory_space<hbm>> -> memref<1x16xi32, #tpu.memory_space<hbm>>
      %dma_start3A_16 = tpu.memref_squeeze %dma_start3A_15 : memref<1x16xi32, #tpu.memory_space<hbm>> -> memref<16xi32, #tpu.memory_space<hbm>>
      %dma_start3A_17 = arith.constant 0 : i32
      %dma_start3A_18 = tpu.memref_slice %arg4[%add3A, %dma_start3A_17] : memref<32x16xi32, #tpu.memory_space<hbm>> -> memref<1x16xi32, #tpu.memory_space<hbm>>
      %dma_start3A_19 = tpu.memref_squeeze %dma_start3A_18 : memref<1x16xi32, #tpu.memory_space<hbm>> -> memref<16xi32, #tpu.memory_space<hbm>>
      tpu.enqueue_dma source(%arg7 : memref<16xi32, #tpu.memory_space<vmem>>) target(%dma_start3A_19 : memref<16xi32, #tpu.memory_space<hbm>>) target_semaphore(%run_scoped3A : memref<!tpu.dma_semaphore, #tpu.memory_space<semaphore_mem>>)
      %dma_wait3A = arith.constant 0 : i32
      %dma_wait3A_20 = tpu.memref_slice %arg4[%add3A, %dma_wait3A] : memref<32x16xi32, #tpu.memory_space<hbm>> -> memref<1x16xi32, #tpu.memory_space<hbm>>
      %dma_wait3A_21 = tpu.memref_squeeze %dma_wait3A_20 : memref<1x16xi32, #tpu.memory_space<hbm>> -> memref<16xi32, #tpu.memory_space<hbm>>
      %dma_wait3A_22 = arith.constant 0 : i32
      %dma_wait3A_23 = tpu.memref_slice %arg4[%add3A, %dma_wait3A_22] : memref<32x16xi32, #tpu.memory_space<hbm>> -> memref<1x16xi32, #tpu.memory_space<hbm>>
      %dma_wait3A_24 = tpu.memref_squeeze %dma_wait3A_23 : memref<1x16xi32, #tpu.memory_space<hbm>> -> memref<16xi32, #tpu.memory_space<hbm>>
      tpu.wait_dma2 semaphore(%run_scoped3A : memref<!tpu.dma_semaphore, #tpu.memory_space<semaphore_mem>>) src(%arg7 : memref<16xi32, #tpu.memory_space<vmem>>) dst(%dma_wait3A_24 : memref<16xi32, #tpu.memory_space<hbm>>)
      tpu.yield
    }) : () -> ()
    return
  }
}

module attributes {stable_mosaic.version = 14 : i64} {
  func.func @_gemv_body(%arg0: i32, %arg1: memref<1xi32, #tpu.memory_space<smem>>, %arg2: memref<8x128xf32, #tpu.memory_space<vmem>>, %arg3: memref<25600x128xf32, #tpu.memory_space<vmem>>, %arg4: memref<200x128xf32, #tpu.memory_space<vmem>>) attributes {dimension_semantics = [#tpu.dimension_semantics<arbitrary>], iteration_bounds = array<i64: 4>, scalar_prefetch = 1 : i64, scratch_operands = 0 : i64, tpu.core_type = #tpu.core_type<tc>, window_params = [{transform_indices = @transform_0, window_bounds = array<i64: 8, 128>}, {transform_indices = @transform_1, window_bounds = array<i64: 25600, 128>}, {transform_indices = @transform_2, window_bounds = array<i64: 200, 128>}]} {
    %get3A = arith.constant 0 : index
    %get3A_0 = memref.load %arg1[%get3A] : memref<1xi32, #tpu.memory_space<smem>>
    %jit3A = arith.constant 8 : i32
    %eq3A = arith.constant 0 : i32
    %eq3A_1 = arith.cmpi eq, %jit3A, %eq3A : i32
    %jit3A_2 = arith.constant 1 : i32
    %select_n3A = arith.select %eq3A_1, %jit3A_2, %jit3A : i32
    %rem3A = arith.remsi %get3A_0, %select_n3A : i32
    %ne3A = arith.constant 0 : i32
    %ne3A_3 = arith.cmpi ne, %rem3A, %ne3A : i32
    %lt3A = arith.constant 0 : i32
    %lt3A_4 = arith.cmpi slt, %rem3A, %lt3A : i32
    %lt3A_5 = arith.constant 0 : i32
    %lt3A_6 = arith.cmpi slt, %select_n3A, %lt3A_5 : i32
    %ne3A_7 = arith.xori %lt3A_4, %lt3A_6 : i1
    %and3A = arith.andi %ne3A_7, %ne3A_3 : i1
    %add3A = arith.addi %rem3A, %select_n3A : i32
    %select_n3A_8 = arith.select %and3A, %add3A, %rem3A : i32
    %get3A_9 = arith.constant 0 : index
    %get3A_10 = arith.constant 0 : index
    %get3A_11 = vector.load %arg2[%get3A_9, %get3A_10] : memref<8x128xf32, #tpu.memory_space<vmem>>, vector<8x128xf32>
    %iota3A = tpu.iota {dimensions = array<i32: 0>} : vector<8x128xi32>
    %eq3A_12 = vector.broadcast %select_n3A_8 : i32 to vector<8x128xi32>
    %eq3A_13 = arith.cmpi eq, %iota3A, %eq3A_12 : vector<8x128xi32>
    %jit3A_14 = arith.constant 0.000000e+00 : f32
    %broadcast_in_dim3A = vector.broadcast %jit3A_14 : f32 to vector<8x128xf32>
    %select_n3A_15 = arith.select %eq3A_13, %get3A_11, %broadcast_in_dim3A : vector<8x128xi1>, vector<8x128xf32>
    %reduce_sum3A = arith.constant dense<0.000000e+00> : vector<128xf32>
    %reduce_sum3A_16 = vector.multi_reduction <add>, %select_n3A_15, %reduce_sum3A [0] : vector<8x128xf32> to vector<128xf32>
    %broadcast_in_dim3A_17 = vector.shape_cast %reduce_sum3A_16 : vector<128xf32> to vector<1x128xf32>
    %get3A_18 = arith.constant 0 : index
    %get3A_19 = arith.constant 0 : index
    %get3A_20 = vector.load %arg3[%get3A_18, %get3A_19] : memref<25600x128xf32, #tpu.memory_space<vmem>>, vector<25600x128xf32>
    %reshape3A = vector.shape_cast %broadcast_in_dim3A_17 : vector<1x128xf32> to vector<128x1xf32>
    %broadcast_in_dim3A_21 = vector.shape_cast %reshape3A : vector<128x1xf32> to vector<128x1xf32>
    %broadcast_in_dim3A_22 = vector.broadcast %broadcast_in_dim3A_21 : vector<128x1xf32> to vector<128x128xf32>
    %dot_general3A = arith.constant dense<0.000000e+00> : vector<25600x128xf32>
    %dot_general3A_23 = tpu.matmul %get3A_20, %broadcast_in_dim3A_22, %dot_general3A {dimension_numbers = #tpu.dot_dimension_numbers<[1], [0], [0], [1], [0, 0, 1, 1], [], []>, transpose_lhs_hint = false} : vector<25600x128xf32>, vector<128x128xf32>, vector<25600x128xf32> -> vector<25600x128xf32>
    %reshape3A_24 = vector.shape_cast %dot_general3A_23 : vector<25600x128xf32> to vector<200x128x128xf32>
    %iota3A_25 = tpu.iota {dimensions = array<i32: 1>} : vector<1x128x128xi32>
    %iota3A_26 = tpu.iota {dimensions = array<i32: 2>} : vector<1x128x128xi32>
    %eq3A_27 = arith.cmpi eq, %iota3A_25, %iota3A_26 : vector<1x128x128xi32>
    %convert_element_type3A = arith.extui %eq3A_27 : vector<1x128x128xi1> to vector<1x128x128xi32>
    %convert_element_type3A_28 = arith.sitofp %convert_element_type3A : vector<1x128x128xi32> to vector<1x128x128xf32>
    %mul3A = vector.broadcast %convert_element_type3A_28 : vector<1x128x128xf32> to vector<200x128x128xf32>
    %mul3A_29 = arith.mulf %reshape3A_24, %mul3A : vector<200x128x128xf32>
    %reduce_sum3A_30 = arith.constant dense<0.000000e+00> : vector<200x128xf32>
    %reduce_sum3A_31 = vector.multi_reduction <add>, %mul3A_29, %reduce_sum3A_30 [1] : vector<200x128x128xf32> to vector<200x128xf32>
    %iota3A_32 = tpu.iota {dimensions = array<i32: 0>} : vector<200x128xi32>
    %iota3A_33 = tpu.iota {dimensions = array<i32: 1>} : vector<200x128xi32>
    %mul3A_34 = arith.constant 25600 : i32
    %mul3A_35 = arith.muli %arg0, %mul3A_34 : i32
    %mul3A_36 = arith.constant 128 : i32
    %mul3A_37 = vector.broadcast %mul3A_36 : i32 to vector<200x128xi32>
    %mul3A_38 = arith.muli %iota3A_32, %mul3A_37 : vector<200x128xi32>
    %add3A_39 = vector.broadcast %mul3A_35 : i32 to vector<200x128xi32>
    %add3A_40 = arith.addi %add3A_39, %mul3A_38 : vector<200x128xi32>
    %add3A_41 = arith.addi %add3A_40, %iota3A_33 : vector<200x128xi32>
    %lt3A_42 = arith.constant 100000 : i32
    %lt3A_43 = vector.broadcast %lt3A_42 : i32 to vector<200x128xi32>
    %lt3A_44 = arith.cmpi slt, %add3A_41, %lt3A_43 : vector<200x128xi32>
    %jit3A_45 = arith.constant 0xFF800000 : f32
    %broadcast_in_dim3A_46 = vector.broadcast %jit3A_45 : f32 to vector<200x128xf32>
    %select_n3A_47 = arith.select %lt3A_44, %reduce_sum3A_31, %broadcast_in_dim3A_46 : vector<200x128xi1>, vector<200x128xf32>
    %swap3A = arith.constant 0 : index
    %swap3A_48 = arith.constant 0 : index
    %swap3A_49 = vector.load %arg4[%swap3A, %swap3A_48] : memref<200x128xf32, #tpu.memory_space<vmem>>, vector<200x128xf32>
    tpu.vector_store %arg4[%swap3A, %swap3A_48], %select_n3A_47 {strides = array<i32>} : memref<200x128xf32, #tpu.memory_space<vmem>>, vector<200x128xf32>,
    return
  }
  func.func @transform_0(%arg0: i32, %arg1: memref<1xi32, #tpu.memory_space<smem>>) -> (i32, i32) {
    %get3A = arith.constant 0 : index
    %get3A_0 = memref.load %arg1[%get3A] : memref<1xi32, #tpu.memory_space<smem>>
    %jit3A = arith.constant 8 : i32
    %div3A = arith.divsi %get3A_0, %jit3A : i32
    %sign3A = arith.constant 0 : i32
    %sign3A_1 = arith.cmpi sgt, %get3A_0, %sign3A : i32
    %sign3A_2 = arith.extui %sign3A_1 : i1 to i32
    %sign3A_3 = arith.constant 0 : i32
    %sign3A_4 = arith.cmpi slt, %get3A_0, %sign3A_3 : i32
    %sign3A_5 = arith.extui %sign3A_4 : i1 to i32
    %sign3A_6 = arith.subi %sign3A_2, %sign3A_5 : i32
    %sign3A_7 = arith.constant 0 : i32
    %sign3A_8 = arith.cmpi sgt, %jit3A, %sign3A_7 : i32
    %sign3A_9 = arith.extui %sign3A_8 : i1 to i32
    %sign3A_10 = arith.constant 0 : i32
    %sign3A_11 = arith.cmpi slt, %jit3A, %sign3A_10 : i32
    %sign3A_12 = arith.extui %sign3A_11 : i1 to i32
    %sign3A_13 = arith.subi %sign3A_9, %sign3A_12 : i32
    %ne3A = arith.cmpi ne, %sign3A_6, %sign3A_13 : i32
    %rem3A = arith.remsi %get3A_0, %jit3A : i32
    %ne3A_14 = arith.constant 0 : i32
    %ne3A_15 = arith.cmpi ne, %rem3A, %ne3A_14 : i32
    %and3A = arith.andi %ne3A, %ne3A_15 : i1
    %sub3A = arith.constant 1 : i32
    %sub3A_16 = arith.subi %div3A, %sub3A : i32
    %select_n3A = arith.select %and3A, %sub3A_16, %div3A : i32
    %c0_i32 = arith.constant 0 : i32
    %c0_i32_17 = arith.constant 0 : i32
    return %select_n3A, %c0_i32 : i32, i32
  }
  func.func @transform_1(%arg0: i32, %arg1: memref<1xi32, #tpu.memory_space<smem>>) -> (i32, i32) {
    %c0_i32 = arith.constant 0 : i32
    %c0_i32_0 = arith.constant 0 : i32
    return %arg0, %c0_i32 : i32, i32
  }
  func.func @transform_2(%arg0: i32, %arg1: memref<1xi32, #tpu.memory_space<smem>>) -> (i32, i32) {
    %c0_i32 = arith.constant 0 : i32
    %c0_i32_0 = arith.constant 0 : i32
    return %arg0, %c0_i32 : i32, i32
  }
}

module attributes {stable_mosaic.version = 14 : i64} {
  func.func @_final_body(%arg0: memref<32x16xf32, #tpu.memory_space<vmem>>, %arg1: memref<32x16xi32, #tpu.memory_space<vmem>>, %arg2: memref<8x128xf32, #tpu.memory_space<vmem>>, %arg3: memref<8x128xi32, #tpu.memory_space<vmem>>) attributes {dimension_semantics = [], scalar_prefetch = 0 : i64, scratch_operands = 0 : i64, tpu.core_type = #tpu.core_type<tc>} {
    %get3A = arith.constant 0 : index
    %get3A_0 = arith.constant 0 : index
    %get3A_1 = vector.load %arg0[%get3A, %get3A_0] : memref<32x16xf32, #tpu.memory_space<vmem>>, vector<32x16xf32>
    %get3A_2 = arith.constant 0 : index
    %get3A_3 = arith.constant 0 : index
    %get3A_4 = vector.load %arg1[%get3A_2, %get3A_3] : memref<32x16xi32, #tpu.memory_space<vmem>>, vector<32x16xi32>
    %iota3A = tpu.iota {dimensions = array<i32: 1>} : vector<8x128xi32>
    %iota3A_5 = tpu.iota {dimensions = array<i32: 0>} : vector<8x128xi32>
    %broadcast_in_dim3A = arith.constant 0xFF800000 : f32
    %broadcast_in_dim3A_6 = vector.broadcast %broadcast_in_dim3A : f32 to vector<8x128xf32>
    %broadcast_in_dim3A_7 = arith.constant 0 : i32
    %broadcast_in_dim3A_8 = vector.broadcast %broadcast_in_dim3A_7 : i32 to vector<8x128xi32>
    %scan3A = arith.constant 0 : i32
    %scan3A_9 = arith.constant 11 : i32
    %scan3A_10 = arith.addi %scan3A, %scan3A_9 : i32
    %scan3A_11 = arith.constant 1 : i32
    %scan3A_12:3 = scf.for %scan3A_19 = %scan3A to %scan3A_10 step %scan3A_11 iter_args(%scan3A_20 = %get3A_1, %scan3A_21 = %broadcast_in_dim3A_6, %scan3A_22 = %broadcast_in_dim3A_8) -> (vector<32x16xf32>, vector<8x128xf32>, vector<8x128xi32>)  : i32 {
      %reduce_max3A = vector.shape_cast %scan3A_20 : vector<32x16xf32> to vector<1x32x16xf32>
      %reduce_max3A_23 = arith.constant dense<0xFF800000> : vector<1xf32>
      %reduce_max3A_24 = vector.multi_reduction <maximumf>, %reduce_max3A, %reduce_max3A_23 [1, 2] : vector<1x32x16xf32> to vector<1xf32>
      %reduce_max3A_25 = vector.shape_cast %reduce_max3A_24 : vector<1xf32> to vector<1x1x1xf32>
      %reduce_max3A_26 = vector.extract %reduce_max3A_25[0, 0, 0] : f32 from vector<1x1x1xf32>
      %eq3A = vector.broadcast %reduce_max3A_26 : f32 to vector<32x16xf32>
      %eq3A_27 = arith.cmpf oeq, %scan3A_20, %eq3A : vector<32x16xf32>
      %jit3A = arith.constant 2147483647 : i32
      %broadcast_in_dim3A_28 = vector.broadcast %jit3A : i32 to vector<32x16xi32>
      %select_n3A = arith.select %eq3A_27, %get3A_4, %broadcast_in_dim3A_28 : vector<32x16xi1>, vector<32x16xi32>
      %reduce_min3A = vector.shape_cast %select_n3A : vector<32x16xi32> to vector<1x32x16xi32>
      %reduce_min3A_29 = arith.constant dense<2147483647> : vector<1xi32>
      %reduce_min3A_30 = vector.multi_reduction <minsi>, %reduce_min3A, %reduce_min3A_29 [1, 2] : vector<1x32x16xi32> to vector<1xi32>
      %reduce_min3A_31 = vector.shape_cast %reduce_min3A_30 : vector<1xi32> to vector<1x1x1xi32>
      %reduce_min3A_32 = vector.extract %reduce_min3A_31[0, 0, 0] : i32 from vector<1x1x1xi32>
      %eq3A_33 = arith.constant 0 : i32
      %eq3A_34 = vector.broadcast %eq3A_33 : i32 to vector<8x128xi32>
      %eq3A_35 = arith.cmpi eq, %iota3A_5, %eq3A_34 : vector<8x128xi32>
      %eq3A_36 = vector.broadcast %scan3A_19 : i32 to vector<8x128xi32>
      %eq3A_37 = arith.cmpi eq, %iota3A, %eq3A_36 : vector<8x128xi32>
      %and3A = arith.andi %eq3A_35, %eq3A_37 : vector<8x128xi1>
      %broadcast_in_dim3A_38 = vector.broadcast %reduce_max3A_26 : f32 to vector<8x128xf32>
      %select_n3A_39 = arith.select %and3A, %broadcast_in_dim3A_38, %scan3A_21 : vector<8x128xi1>, vector<8x128xf32>
      %broadcast_in_dim3A_40 = vector.broadcast %reduce_min3A_32 : i32 to vector<8x128xi32>
      %select_n3A_41 = arith.select %and3A, %broadcast_in_dim3A_40, %scan3A_22 : vector<8x128xi1>, vector<8x128xi32>
      %eq3A_42 = vector.broadcast %reduce_max3A_26 : f32 to vector<32x16xf32>
      %eq3A_43 = arith.cmpf oeq, %scan3A_20, %eq3A_42 : vector<32x16xf32>
      %eq3A_44 = vector.broadcast %reduce_min3A_32 : i32 to vector<32x16xi32>
      %eq3A_45 = arith.cmpi eq, %get3A_4, %eq3A_44 : vector<32x16xi32>
      %and3A_46 = arith.andi %eq3A_43, %eq3A_45 : vector<32x16xi1>
      %jit3A_47 = arith.constant 0xFF800000 : f32
      %broadcast_in_dim3A_48 = vector.broadcast %jit3A_47 : f32 to vector<32x16xf32>
      %select_n3A_49 = arith.select %and3A_46, %broadcast_in_dim3A_48, %scan3A_20 : vector<32x16xi1>, vector<32x16xf32>
      scf.yield %select_n3A_49, %select_n3A_39, %select_n3A_41 : vector<32x16xf32>, vector<8x128xf32>, vector<8x128xi32>
    }
    %scan3A_13 = arith.constant 11 : i32
    %swap3A = arith.constant 0 : index
    %swap3A_14 = arith.constant 0 : index
    %swap3A_15 = vector.load %arg2[%swap3A, %swap3A_14] : memref<8x128xf32, #tpu.memory_space<vmem>>, vector<8x128xf32>
    tpu.vector_store %arg2[%swap3A, %swap3A_14], %scan3A_12#1 {strides = array<i32>} : memref<8x128xf32, #tpu.memory_space<vmem>>, vector<8x128xf32>,
    %swap3A_16 = arith.constant 0 : index
    %swap3A_17 = arith.constant 0 : index
    %swap3A_18 = vector.load %arg3[%swap3A_16, %swap3A_17] : memref<8x128xi32, #tpu.memory_space<vmem>>, vector<8x128xi32>
    tpu.vector_store %arg3[%swap3A_16, %swap3A_17], %scan3A_12#2 {strides = array<i32>} : memref<8x128xi32, #tpu.memory_space<vmem>>, vector<8x128xi32>,
    return
  }
}

</mosaic_0001>

<sc_bundles>
// kernel: kernel.5.cloned.1.call-start
scs
__scs_entry_jumppad:
0x0: {  	(pc) =	sbr.rel $0x88, $3  }
0x1: {  	(tag) =	ssettag $0x0;
	lr =	simm.s32 $0x1  }
0x2: {  	[smem:$0x3F9F] =	sst lr;
	_ =	strace $0xD0000000  }
0x3: {  	_ = 	snop  }
0x4: {  	_ = 	snop  }
0x5: {  	_ = 	snop  }
0x6: {  	_ = 	snop  }
0x7: {  	_ = 	snop  }
__scs_overlays_trampoline_lowered:
0x8: {  	[smem:$0x3FAE] =	sst s0  }
0x9: {  	[smem:$0x3FAF] =	sst s1  }
0xa: {  	[smem:$0x3FB0] =	sst s2  }
0xb: {  	[smem:$0x3FB1] =	sst s3  }
0xc: {  	[smem:$0x3FB2] =	sst s4  }
0xd: {  	[smem:$0x3FB3] =	sst s5  }
0xe: {  	[smem:$0x3FB4] =	sst s6  }
0xf: {  	[smem:$0x3FB5] =	sst s7  }
0x10: {  	[smem:$0x3FB6] =	sst s8  }
0x11: {  	[smem:$0x3FB7] =	sst s9;
	s0 =	simm.s32 @!p0 $0x0  }
0x12: {  	s1 =	sld [smem:$0x3F9D];
	s0 =	simm.s32 @p0 $0x1  }
0x13: {  	[smem:$0x3FB8] =	sst s0;
	s0 =	simm.s32 @!p1 $0x0  }
0x14: {  	s2 =	sld [smem:$0x3F9C];
	s0 =	simm.s32 @p1 $0x1  }
0x15: {  	[smem:$0x3FB9] =	sst s0;
	s0 =	simm.s32 @!p2 $0x0  }
0x16: {  	s3 =	sld [smem:$0x3FDB];
	s0 =	simm.s32 @p2 $0x1  }
0x17: {  	s4 =	simm.s32 $0x1BF5;
	[smem:$0x3FBB] =	sst s0  }
0x18: {  	s0 =	sld [smem:$0x3F9E];
	_ =	swait.ge [sflag:s4], $0x0  }
0x19: {  	s7 =	sld [smem:$0x3F9F]  }
0x1a: {  	s8 =	sadd.s32 $0xFFFFE003, lr  }
0x1b: {  	s9 =	sadd.s32 $0xFFFFFEF7, lr;
	s5 =	simm.s32 $0xFFFFFFFF;
	p2 =	slt.u32 s8, $0xFFFFF086  }
0x1c: {  	p1 =	slt.u32 s9, $0xF7A;
	s5 =	simm.s32 @!p2 $0x0  }
0x1d: {  	s5 =	simm.s32 @p1 $0x1;
	p0 =	seq.s32 s7, s2  }
0x1e: {  	s7 =	smul.u32 @!p0 $0xF7A, s2;
	p2 =	seq.s32 @!p0 s5, $0x0  }
0x1f: {  	s9 =	smul.u32 $0xF7A, s1;
	s8 =	simm.s32 @!p0 $0x1BF5;
	p2 =	por !p2, p0  }
0x20: {  	[sflag:s8] =	ssyncset.s32 @!p0 $0xFFFFF086;
	s6 =	sadd.s32 @!p0 s3, s7;
	s7 =	simm.s32 @!p0 $0x108  }
0x21: {  	s3 =	sadd.s32 s3, s9;
	s6 =	sadd.s32 @!p0 $0x88, s6;
	s7 =	simm.s32 @p2 $0x1082  }
0x22: {  	[simem:s7], [sflag:s8] =	dma.local @!p0 [hbm:s6], $0xF7A  }
0x23: {  	s9 =	sor.u32 $0xD0000000, s2;
	s6 =	simm.s32 $0x108;
	_ =	swait.ge @!p0 [sflag:s8], $0x0  }
0x24: {  	s3 =	sadd.s32 $0x88, s3;
	s6 =	simm.s32 @!p1 $0x1082;
	[sflag:s4] =	ssyncset.s32 $0xFFFFF086  }
0x25: {  	[simem:s6], [sflag:s4] =	dma.local [hbm:s3], $0xF7A  }
0x26: {  	[smem:$0x3F9F] =	sst s1;
	(tag) =	ssettag s2;
	_ =	strace s9  }
0x27: {  	s1 =	sld [smem:$0x3FAF]  }
0x28: {  	s2 =	sld [smem:$0x3FB0]  }
0x29: {  	s4 =	sld [smem:$0x3FB2]  }
0x2a: {  	p0 =	seq.s32 s5, $0x0;
	s5 =	sld [smem:$0x3FB3]  }
0x2b: {  	s6 =	sld [smem:$0x3FB4]  }
0x2c: {  	s7 =	sld [smem:$0x3FB5]  }
0x2d: {  	s3 =	simm.s32 $0x108;
	s8 =	sld [smem:$0x3FB6]  }
0x2e: {  	s3 =	simm.s32 @!p0 $0x1082;
	s9 =	sld [smem:$0x3FB7]  }
0x2f: {  	lr =	sadd.s32 s0, s3;
	s0 =	sld [smem:$0x3FAE]  }
0x30: {  	s3 =	sld [smem:$0x3FB1]  }
0x31: {  	[smem:$0x3FBA] =	sst s10  }
0x32: {  	s10 =	sld [smem:$0x3FB8];
	_ =	sdelay $0x3  }
0x33: {  	p0 =	seq.s32 s10, $0x1;
	s10 =	sld [smem:$0x3FBA];
	_ =	sdelay $0x3  }
0x34: {  	[smem:$0x3FBA] =	sst s10  }
0x35: {  	s10 =	sld [smem:$0x3FB9];
	_ =	sdelay $0x3  }
0x36: {  	p1 =	seq.s32 s10, $0x1;
	s10 =	sld [smem:$0x3FBA];
	_ =	sdelay $0x3  }
0x37: {  	[smem:$0x3FBA] =	sst s10  }
0x38: {  	s10 =	sld [smem:$0x3FBB]  }
0x39: {  	_ = 	snop;
	(pc) =	sbr.ind lr, $3  }
0x3a: {  	_ = 	snop  }
0x3b: {  	_ = 	snop  }
0x3c: {  	p2 =	seq.s32 s10, $0x1;
	s10 =	sld [smem:$0x3FBA]  }
0x3d: {  	_ =	shalt  }
0x3e: {  	_ =	shalt  }
0x3f: {  	_ =	shalt  }
0x40: {  	_ =	shalt  }
0x41: {  	_ =	shalt  }
0x42: {  	_ =	shalt  }
0x43: {  	_ =	shalt  }
0x44: {  	_ =	shalt  }
0x45: {  	_ =	shalt  }
0x46: {  	_ =	shalt  }
0x47: {  	_ =	shalt  }
0x48: {  	_ =	shalt  }
0x49: {  	_ =	shalt  }
0x4a: {  	_ =	shalt  }
0x4b: {  	_ =	shalt  }
0x4c: {  	_ =	shalt  }
0x4d: {  	_ =	shalt  }
0x4e: {  	_ =	shalt  }
0x4f: {  	_ =	shalt  }
0x50: {  	_ =	shalt  }
0x51: {  	_ =	shalt  }
0x52: {  	_ =	shalt  }
0x53: {  	_ =	shalt  }
0x54: {  	_ =	shalt  }
0x55: {  	_ =	shalt  }
0x56: {  	_ =	shalt  }
0x57: {  	_ =	shalt  }
0x58: {  	_ =	shalt  }
0x59: {  	_ =	shalt  }
0x5a: {  	_ =	shalt  }
0x5b: {  	_ =	shalt  }
0x5c: {  	_ =	shalt  }
0x5d: {  	_ =	shalt  }
0x5e: {  	_ =	shalt  }
0x5f: {  	_ =	shalt  }
0x60: {  	_ =	shalt  }
0x61: {  	_ =	shalt  }
0x62: {  	_ =	shalt  }
0x63: {  	_ =	shalt  }
0x64: {  	_ =	shalt  }
0x65: {  	_ =	shalt  }
0x66: {  	_ =	shalt  }
0x67: {  	_ =	shalt  }
0x68: {  	_ =	shalt  }
0x69: {  	_ =	shalt  }
0x6a: {  	_ =	shalt  }
0x6b: {  	_ =	shalt  }
0x6c: {  	_ =	shalt  }
0x6d: {  	_ =	shalt  }
0x6e: {  	_ =	shalt  }
0x6f: {  	_ =	shalt  }
0x70: {  	_ =	shalt  }
0x71: {  	_ =	shalt  }
0x72: {  	_ =	shalt  }
0x73: {  	_ =	shalt  }
0x74: {  	_ =	shalt  }
0x75: {  	_ =	shalt  }
0x76: {  	_ =	shalt  }
0x77: {  	_ =	shalt  }
0x78: {  	_ =	shalt  }
0x79: {  	_ =	shalt  }
0x7a: {  	_ =	shalt  }
0x7b: {  	_ =	shalt  }
0x7c: {  	_ =	shalt  }
0x7d: {  	_ =	shalt  }
0x7e: {  	_ =	shalt  }
0x7f: {  	_ =	shalt  }
0x80: {  	_ =	shalt  }
0x81: {  	_ =	shalt  }
0x82: {  	_ =	shalt  }
0x83: {  	_ =	shalt  }
0x84: {  	_ =	shalt  }
0x85: {  	_ =	shalt  }
0x86: {  	_ =	shalt  }
0x87: {  	_ =	shalt  }
.Lfunc_end0:
.L_simem_size_0:
called_computation_lowered:
.L_overlay_start_0:
0x88: {  	s2 =	sld [smem:$0x3FD9]  }
0x89: {  	s3 =	sld [smem:$0x3FFE];
	_ =	sdelay $0x1  }
0x8a: {  	s1 =	srdreg.scid  }
0x8b: {  	s0 =	sand.u32 $0x1, s1  }
0x8c: {  	s16 =	sshll.u32 s0, $0xA;
	s2 =	sadd.s32 s3, s2  }
0x8d: {  	s2 =	sadd.s32 s2, s16  }
0x8e: {  	[smem:$0x3FC6] =	sst s2  }
0x8f: {  	_ = 	snop  }
0x90: {  	(tm) =	ssettm $0x1  }
0x91: {  	s17 =	sld [smem:$0x3FFB];
	_ =	sdelay $0x3  }
0x92: {  	_ =	strace s17  }
0x93: {  	s2 =	sld [smem:$0x3FFC];
	_ =	sdelay $0x3  }
0x94: {  	_ =	strace s2  }
0x95: {  	s2 =	sld [smem:$0x3FFD];
	_ =	sdelay $0x3  }
0x96: {  	_ =	strace s2  }
0x97: {  	_ =	strace $0x8FFFFFFF  }
0x98: {  	s18 =	sld [smem:$0x3FDB];
	_ =	sdelay $0x1  }
0x99: {  	s19 =	simm.s32 $_scs_section_size  }
0x9a: {  	s4 =	simm.s32 $_size__tile_overlayer_lowered;
	s5 =	simm.s32 $_tile_overlayer_lowered  }
0x9b: {  	s22 =	simm.s32 $0x1BFF;
	s21 =	sshll.u32 s5, $0x1;
	s2 =	sadd.s32 s19, s18  }
0x9c: {  	s6 =	simm.s32 $0x0;
	s20 =	sshll.u32 s4, $0x1;
	s4 =	sadd.s32 s21, s2  }
0x9d: {  	[timem:s6], [sflag:s22] =	dma.local [hbm:s4], s20  }
0x9e: {  	_ =	swait.ge [sflag:s22], s20  }
0x9f: {  	s3 =	ssub.s32 $0x0, s20;
	[sflag:s22] =	ssyncset.done $0x0  }
0xa0: {  	[sflag:s22] =	ssyncadd.s32 s3;
	_ =	sdelay $0x1  }
0xa1: {  	s23 =	simm.s32 $0x1B8B  }
0xa2: {  	_ =	swait.ge [sflag:s23], $0x1  }
0xa3: {  	[sflag:s23] =	ssyncset.done $0x0  }
0xa4: {  	s25 =	simm.s32 $0x1B8E;
	s24 =	sld [smem:$0x3FFE];
	[sflag:s23] =	ssyncadd.s32 $0xFFFFFFFF  }
0xa5: {  	s26 =	simm.s32 $execute0_lowered;
	[smem:$0x3FD2] =	sst s25  }
0xa6: {  	s4 =	sshll.u32 s26, $0x1;
	_ =	strace $0x80000046;
	[dreg:$0x1] =	wrdreg $0xFFFFFFFF  }
0xa7: {  	s28 =	simm.s32 $_size_execute0_lowered;
	s2 =	sadd.s32 s2, s4;
	[dreg:$0x0] =	wrdreg $0x0  }
0xa8: {  	s4 =	sshll.u32 s28, $0x1;
	[dreg:$0x2] =	wrdreg s2  }
0xa9: {  	[dreg:$0x3] =	wrdreg s4  }
0xaa: {  	[dreg:$0x4] =	wrdreg $0xC0  }
0xab: {  	_ =	task [dreg:s6], $0x5FFFF  }
0xac: {  	[dreg:$0x1] =	wrdreg $0xFFFFFFFF  }
0xad: {  	[dreg:$0x0] =	wrdreg $0x60  }
0xae: {  	[dreg:$0x2] =	wrdreg s24  }
0xaf: {  	[dreg:$0x3] =	wrdreg $0x9  }
0xb0: {  	_ =	task.clear_ibuf [dreg:s6], $0x4FFFF;
	_ =	strace $0x90000046  }
0xb1: {  	s29 =	simm.s32 $0x9;
	_ =	strace $0x80000048  }
0xb2: {  	_ =	swait.ge [sflag:s29], $0x1  }
0xb3: {  	[sflag:s29] =	ssyncadd.s32 $0xFFFFFFFF  }
0xb4: {  	_ =	strace $0x90000048  }
0xb5: {  	_ =	sfence  }
0xb6: {  	s30 =	sld [smem:$0x0];
	_ =	sdelay $0x2  }
0xb7: {  	s31 =	sshll.u32 s1, $0xD;
	s1 =	sshrl.u32 s1, $0x2  }
0xb8: {  	s3 =	sand.u32 $0x4000, s31;
	s1 =	sadd.s32 s1, s30  }
0xb9: {  	s0 =	sor.u32 s3, s0;
	s1 =	sshll.u32 s1, $0x11  }
0xba: {  	s0 =	sor.u32 s1, s0  }
0xbb: {  	s0 =	sadd.s32 $0x8F2B, s0  }
0xbc: {  	[sflag:s0] =	ssyncadd.remote.s32 $0x1  }
0xbd: {  	_ =	sfence.sel $0xFFFF  }
0xbe: {  	[dreg:$0x0] =	wrdreg $0xFFFFFFFF;
	(pc) =	sbr.abs _section_cstart, $3  }
0xbf: {  	[dreg:$0x1] =	wrdreg $0xFFFFFFFF  }
0xc0: {  	_ =	task.clear_ibuf [dreg:s6], $0x2FFFF;
	_ =	strace $0x9FFFFFFF  }
0xc1: {  	(tm) =	ssettm $0x7FFFFFFF  }
tec
execute0_lowered:
.L_overlay_start_1:
0x0: {  	(tag) =	ssettag $0x1  }
0x1: {  	s1 =	srdreg.scid;
	s0 =	stileid.u32  }
0x2: {  	s5 =	rddreg [dreg:$0x0];
	s2 =	simm.s32 $0x0;
	s10 =	simm.s32 $0xD00  }
0x3: {  	s11 =	simm.s32 $0x0;
	s3 =	sand.u32 $0x1, s1;
	s30 =	sshll.u32 s0, $0x1  }
0x4: {  	s1 =	rddreg [dreg:$0x1];
	s9 =	smul.u32 $0x1900, s0;
	s4 =	sor.u32 s3, s30  }
0x5: {  	[smem:$0x7FF] =	sst s2;
	s7 =	ssub.s32 $0x2, s3;
	s6 =	smul.u32 $0xC80, s4  }
0x6: {  	_ =	strace $0x80000047;
	s31 =	smul.u32 $0xC80, s3;
	s8 =	sshrl.u32 s7, $0x1  }
0x7: {  	s4 =	sshll.u32 s4, $0x4;
	s7 =	ssub.s32 s7, s8;
	s6 =	sshrl.u32 s6, $0x3  }
0x8: {  	s8 =	simm.s32 $0x1;
	s6 =	sadd.s32 s6, s5;
	s5 =	sadd.s32 s4, s5  }
0x9: {  	s3 =	sadd.s32 $0x1000, s6;
	s4 =	sadd.s32 $0x4200, s5;
	s5 =	sadd.s32 $0x4400, s5  }
0xa: {  	v0 =	vlaneseq.u32;
	s6 =	smax.u32 s7, $0x1;
	s7 =	sadd.s32 s31, s9;
	s9 =	simm.s32 $0xC80  }
.LBB2_1:
0xb: {  	[tilespmem:s2], [sflag:$0x1] =	stream.linear.gather [hbm4b:s3+s2], $0xC80, $0x38;
	[tilespmem:$0xD80] =	vst v63  }
0xc: {  	_ =	swait.ge [sflag:s8], $0xC80  }
0xd: {  	[sflag:s8] =	ssyncset.done $0x0  }
0xe: {  	s12 =	simm.s32 $0x20;
	[sflag:s8] =	ssyncadd.s32 $0xFFFFF380  }
0xf: {  	v1 =	vld [tilespmem:s12+$0xFFFFFFE0]  }
0x10: {  	v3 =	vld [tilespmem:s12+$0xFFFFFFF0]  }
0x11: {  	v4 =	vld [tilespmem:s12+$0x0]  }
0x12: {  	v5 =	vld [tilespmem:s12+$0x10];
	_ =	sdelay $0x2  }
0x13: {  	v2 =	vmax.f32 v1, v3  }
0x14: {  	v2 =	vmax.f32 v2, v4  }
0x15: {  	v2 =	vmax.f32 v2, v5  }
0x16: {  	(xrf1) =	vsort.dscd.msk.f32 $0xffff, v2, v0;
	_ =	sdelay $0xd  }
0x17: {  	v2, _, _ =	vpop (xrf1)  }
0x18: {  	(v2sf) =	vpush v2, $0x0;
	_ =	sdelay $0xe  }
0x19: {  	s12 =	simm.f32 $-Inf;
	s13 =	spop (v2sf)  }
0x1a: {  	p0 =	sgt.f32 s13, s12;
	_ =	sdelay $0x1  }
0x1b: {  	s13 =	sadd.s32 @p0 $0x0, s7;
	v6 =	vlaneseq.u32 @p0  }
0x1c: {  	v2 =	vor.u32 @p0 s13, v6  }
0x1d: {  	(xrf1) =	vsort.dscd.msk.f32 @p0 $0xffff, v1, v2;
	_ =	sdelay $0xd  }
0x1e: {  	v1 =	vimm.f32 $-Inf;
	v2 =	vimm.s32 $0x0;
	v7, v8, _ =	vpop @p0 (xrf1)  }
0x1f: {  	vm0 =	veq.f32 @p0 v1, v7;
	vm1 =	vlt.s32 @p0 v2, v8  }
0x20: {  	s14 =	sadd.s32 @p0 $0x10, s13;
	vm2 =	vgt.f32 @p0 v1, v7;
	vm0 =	vmand @p0 vm0, vm1  }
0x21: {  	v9 =	vor.u32 @p0 s14, v6;
	vm0 =	vmor @p0 vm2, vm0  }
0x22: {  	(xrf1) =	vsort.dscd.msk.f32 @p0 $0xffff, v3, v9;
	v7 =	vsel @p0 vm0, v1, v7;
	v8 =	vsel @p0 vm0, v2, v8  }
0x23: {  	(xrf1) =	vsort.ascd.msk.f32 @p0 $0xffff, v7, v8;
	_ =	sdelay $0xc  }
0x24: {  	v3, v7, _ =	vpop @p0 (xrf1)  }
0x25: {  	v8, v9, _ =	vpop @p0 (xrf1)  }
0x26: {  	vm0 =	veq.f32 @p0 v8, v3;
	vm1 =	vlt.s32 @p0 v9, v7  }
0x27: {  	s14 =	sadd.s32 @p0 $0x20, s13;
	vm2 =	vgt.f32 @p0 v8, v3;
	vm0 =	vmand @p0 vm0, vm1  }
0x28: {  	v10 =	vor.u32 @p0 s14, v6;
	vm0 =	vmor @p0 vm2, vm0  }
0x29: {  	(xrf1) =	vsort.dscd.msk.f32 @p0 $0xffff, v4, v10;
	v3 =	vsel @p0 vm0, v8, v3;
	v7 =	vsel @p0 vm0, v9, v7  }
0x2a: {  	(xrf1) =	vsort.ascd.msk.f32 @p0 $0xffff, v3, v7;
	_ =	sdelay $0xc  }
0x2b: {  	v3, v4, _ =	vpop @p0 (xrf1)  }
0x2c: {  	v7, v8, _ =	vpop @p0 (xrf1)  }
0x2d: {  	vm0 =	veq.f32 @p0 v7, v3;
	vm1 =	vlt.s32 @p0 v8, v4  }
0x2e: {  	s13 =	sadd.s32 @p0 $0x30, s13;
	vm2 =	vgt.f32 @p0 v7, v3;
	vm0 =	vmand @p0 vm0, vm1  }
0x2f: {  	v6 =	vor.u32 @p0 s13, v6;
	vm0 =	vmor @p0 vm2, vm0  }
0x30: {  	(xrf1) =	vsort.dscd.msk.f32 @p0 $0xffff, v5, v6;
	v3 =	vsel @p0 vm0, v7, v3;
	v4 =	vsel @p0 vm0, v8, v4  }
0x31: {  	(xrf1) =	vsort.ascd.msk.f32 @p0 $0xffff, v3, v4;
	_ =	sdelay $0x9  }
0x32: {  	s13 =	simm.s32 $0x40;
	s14 =	simm.s32 $0x60  }
.LBB2_2:
0x33: {  	v5 =	vld [tilespmem:s14+$0xFFFFFFE0];
	s15 =	smov.u32 s13  }
0x34: {  	s13 =	sadd.s32 $0x40, s13;
	v6 =	vld [tilespmem:s14+$0xFFFFFFF0]  }
0x35: {  	p1 =	sne.s32 s13, $0xC80;
	v4 =	vld [tilespmem:s14+$0x0];
	v7, v8, _ =	vpop @p0 (xrf1)  }
0x36: {  	v3 =	vld [tilespmem:s14+$0x10];
	v9, v10, _ =	vpop @p0 (xrf1)  }
0x37: {  	vm0 =	vgt.f32 @p0 v9, v7;
	vm1 =	veq.f32 @p0 v9, v7;
	vm2 =	vlt.s32 @p0 v10, v8  }
0x38: {  	vm1 =	vmand @p0 vm1, vm2  }
0x39: {  	v11 =	vmax.f32 v5, v6;
	vm0 =	vmor @p0 vm0, vm1  }
0x3a: {  	v11 =	vmax.f32 v11, v4;
	v7 =	vsel @p0 vm0, v9, v7;
	v8 =	vsel @p0 vm0, v10, v8  }
0x3b: {  	v9 =	vmax.f32 v11, v3;
	(xrf1) =	vsort.ascd.msk.f32 @p0 $0xffff, v7, v8  }
0x3c: {  	(xrf1) =	vsort.dscd.msk.f32 $0xffff, v9, v0;
	_ =	sdelay $0xc  }
0x3d: {  	v7, v8, _ =	vpop @p0 (xrf1)  }
0x3e: {  	v9, _, _ =	vpop (xrf1);
	v1 =	vpsel p0, v7, v1;
	v2 =	vpsel p0, v8, v2;
	(v2sf) =	vpush @p0 v7, $0x0  }
0x3f: {  	(v2sf) =	vpush v9, $0x0;
	_ =	sdelay $0xd  }
0x40: {  	s16 =	spop @p0 (v2sf)  }
0x41: {  	s17 =	spop (v2sf);
	s12 =	smov.u32 @p0 s16  }
0x42: {  	p0 =	sgt.f32 s17, s12;
	_ =	sdelay $0x1  }
0x43: {  	s15 =	sadd.s32 @p0 s15, s7;
	v7 =	vlaneseq.u32 @p0  }
0x44: {  	v8 =	vor.u32 @p0 s15, v7  }
0x45: {  	(xrf1) =	vsort.dscd.msk.f32 @p0 $0xffff, v5, v8;
	_ =	sdelay $0xd  }
0x46: {  	v5, v8, _ =	vpop @p0 (xrf1)  }
0x47: {  	vm0 =	veq.f32 @p0 v1, v5;
	vm1 =	vlt.s32 @p0 v2, v8  }
0x48: {  	s16 =	sadd.s32 @p0 $0x10, s15;
	vm2 =	vgt.f32 @p0 v1, v5;
	vm0 =	vmand @p0 vm0, vm1  }
0x49: {  	v9 =	vor.u32 @p0 s16, v7;
	vm0 =	vmor @p0 vm2, vm0  }
0x4a: {  	v5 =	vsel @p0 vm0, v1, v5;
	v8 =	vsel @p0 vm0, v2, v8;
	(xrf1) =	vsort.dscd.msk.f32 @p0 $0xffff, v6, v9  }
0x4b: {  	(xrf1) =	vsort.ascd.msk.f32 @p0 $0xffff, v5, v8;
	_ =	sdelay $0xc  }
0x4c: {  	v5, v6, _ =	vpop @p0 (xrf1)  }
0x4d: {  	v8, v9, _ =	vpop @p0 (xrf1)  }
0x4e: {  	vm0 =	veq.f32 @p0 v8, v5;
	vm1 =	vlt.s32 @p0 v9, v6  }
0x4f: {  	s16 =	sadd.s32 @p0 $0x20, s15;
	vm2 =	vgt.f32 @p0 v8, v5;
	vm0 =	vmand @p0 vm0, vm1  }
0x50: {  	v10 =	vor.u32 @p0 s16, v7;
	vm0 =	vmor @p0 vm2, vm0  }
0x51: {  	v5 =	vsel @p0 vm0, v8, v5;
	v6 =	vsel @p0 vm0, v9, v6;
	(xrf1) =	vsort.dscd.msk.f32 @p0 $0xffff, v4, v10  }
0x52: {  	(xrf1) =	vsort.ascd.msk.f32 @p0 $0xffff, v5, v6;
	_ =	sdelay $0xc  }
0x53: {  	v4, v5, _ =	vpop @p0 (xrf1)  }
0x54: {  	v6, v8, _ =	vpop @p0 (xrf1)  }
0x55: {  	vm0 =	veq.f32 @p0 v6, v4;
	vm1 =	vlt.s32 @p0 v8, v5  }
0x56: {  	s15 =	sadd.s32 @p0 $0x30, s15;
	vm2 =	vgt.f32 @p0 v6, v4;
	vm0 =	vmand @p0 vm0, vm1  }
0x57: {  	v7 =	vor.u32 @p0 s15, v7;
	vm0 =	vmor @p0 vm2, vm0  }
0x58: {  	v4 =	vsel @p0 vm0, v6, v4;
	v5 =	vsel @p0 vm0, v8, v5;
	(xrf1) =	vsort.dscd.msk.f32 @p0 $0xffff, v3, v7  }
0x59: {  	(xrf1) =	vsort.ascd.msk.f32 @p0 $0xffff, v4, v5;
	_ =	sdelay $0x5  }
.Ltmp0:
0x5a: {  	(pc) =	sbr.rel @p1 .LBB2_2-.Ltmp0, $2  }
0x5b: {  	_ =	sdelay $0x2  }
0x5c: {  	s14 =	sadd.s32 $0x40, s14  }
0x5d: {  	_ =	sdelay $0x1  }
0x5e: {  	v3, v4, _ =	vpop @p0 (xrf1)  }
0x5f: {  	v5, v6, _ =	vpop @p0 (xrf1)  }
0x60: {  	vm0 =	veq.f32 @p0 v5, v3;
	vm1 =	vlt.s32 @p0 v6, v4  }
0x61: {  	vm2 =	vgt.f32 @p0 v5, v3;
	vm0 =	vmand @p0 vm0, vm1  }
0x62: {  	vm0 =	vmor @p0 vm2, vm0  }
0x63: {  	v3 =	vsel @p0 vm0, v5, v3;
	v4 =	vsel @p0 vm0, v6, v4  }
0x64: {  	(xrf1) =	vsort.ascd.msk.f32 @p0 $0xffff, v3, v4;
	_ =	sdelay $0xd  }
0x65: {  	v3, v4, _ =	vpop @p0 (xrf1)  }
0x66: {  	(v2sf) =	vpush @p0 v3, $0x0;
	_ =	sdelay $0xa  }
0x67: {  	v1 =	vpsel p0, v3, v1  }
0x68: {  	v2 =	vpsel p0, v4, v2;
	[tilespmem:$0xC80] =	vst v1  }
0x69: {  	[tilespmem:$0xD00] =	vst v2  }
0x6a: {  	[hbm4b:s4+s2] =	stream.linear.scatter [tilespmem:s9], [sflag:$0x1], $0x80, $0x38;
	[tilespmem:$0xD80] =	vst v63  }
0x6b: {  	s12 =	spop @p0 (v2sf)  }
0x6c: {  	s11 =	sadd.s32 $0x1, s11;
	_ =	swait.ge [sflag:s8], $0x80  }
0x6d: {  	p0 =	sne.s32 s11, s6;
	[sflag:s8] =	ssyncset.done $0x0  }
.Ltmp1:
0x6e: {  	[sflag:s8] =	ssyncadd.s32 $0xFFFFFF80;
	(pc) =	sbr.rel @p0 .LBB2_1-.Ltmp1, $4  }
0x6f: {  	[hbm4b:s5+s2] =	stream.linear.scatter [tilespmem:s10], [sflag:$0x1], $0x80, $0x38;
	[tilespmem:$0xD80] =	vst v63  }
0x70: {  	_ =	swait.ge [sflag:s8], $0x80  }
0x71: {  	[sflag:s8] =	ssyncset.done $0x0  }
0x72: {  	[sflag:s8] =	ssyncadd.s32 $0xFFFFFF80  }
0x73: {  	_ =	sfence.sel $0x180000  }
0x74: {  	[bflag:$0x0] =	sbarrier.arrive $0xFFFF  }
0x75: {  	p0 =	sne.s32 s0, $0x0;
	_ =	strace $0x90000047  }
0x76: {  	s0 =	sadd.s32 @!p0 $0x100000, s1;
	[bflag:$0x2] =	sbarrier.arrive $0xFFFF  }
0x77: {  	[sflag:s0] =	ssyncadd.tile.s32 @!p0 $0x1;
	_ =	shalt  }
.Lfunc_end2:
_tile_overlayer_lowered:
.L_overlay_start_2:
0x78: {  	(tag) =	ssettag $0x2  }
0x79: {  	s0 =	rddreg [dreg:$0x0];
	s2 =	stileid.u32  }
0x7a: {  	s1 =	rddreg [dreg:$0x1];
	p0 =	sne.s32 s2, $0x0  }
0x7b: {  	s3 =	rddreg [dreg:$0x2];
	[bflag:$0x3] =	sbarrier.arrive $0xFFFF;
	s2 =	simm.s32 @!p0 $0x1C01  }
0x7c: {  	[timem:s3], [sflag:s2] =	dma.local @!p0 [hbm:s0], s1  }
0x7d: {  	s0 =	simm.s32 @!p0 $0x1  }
0x7e: {  	_ =	swait.ge @!p0 [sflag:s0], s1  }
0x7f: {  	s1 =	ssub.s32 @!p0 $0x0, s1;
	[sflag:s0] =	ssyncset.done @!p0 $0x0  }
0x80: {  	[sflag:s0] =	ssyncadd.s32 @!p0 s1  }
0x81: {  	[bflag:$0x3] =	sbarrier.arrive $0xFFFF  }
0x82: {  	_ =	shalt  }

</sc_bundles>
